<compile_context>
chip_gen: v7x
topology: tpu7x:2x2x1
jax: 0.10.2.dev20260603
libtpu: 0.0.44.dev20260713+nightly
codegen_flags: <defaults>
</compile_context>

<pallas_src>
import functools

import jax
import jax.numpy as jnp
from jax.experimental import pallas as pl

S, B, D = 512, 32, 1024
L = 512


def _mea_kernel(e_ref, m_ref, w_ref, out_ref):
    Mb = m_ref[...]
    W = w_ref[...]
    scale_t = jax.lax.dot_general(
        W, Mb,
        dimension_numbers=(((1,), (1,)), ((), ())),
        preferred_element_type=jnp.float32,
    )
    mx = jnp.max(scale_t, axis=1, keepdims=True)
    ex = jnp.exp(scale_t - mx)
    z = jnp.sum(ex, axis=1, keepdims=True)
    alpha_t = ex / z

    ef = e_ref[0]
    e0 = jnp.minimum(ef[:, 0:1], L - 1)
    e1 = jnp.minimum(ef[:, 1:2], S - 1)
    E = ef.shape[0]
    rows = jax.lax.broadcasted_iota(jnp.int32, (E, L), 1)
    cols = jax.lax.broadcasted_iota(jnp.int32, (E, S), 1)
    Pt = (rows == e0).astype(jnp.bfloat16)
    Q = (cols == e1).astype(jnp.bfloat16)
    C = jax.lax.dot_general(
        Pt, Q,
        dimension_numbers=(((0,), (0,)), ((), ())),
        preferred_element_type=jnp.float32,
    )
    hit = C > 0.0

    masked = jnp.where(hit, alpha_t, 0.0)
    sum_e = jnp.sum(masked, axis=1, keepdims=True)
    row_total = jnp.sum(alpha_t, axis=1, keepdims=True)
    denom = sum_e + 1e-10 * (row_total - sum_e) + 1e-10
    out_ref[0, :, :] = jnp.where(hit, alpha_t / denom, 0.0)


@jax.jit
def kernel(M, lengths, edge_ind, W):
    del lengths
    e = edge_ind.astype(jnp.int32)
    E = e.shape[1]
    M2 = M.reshape(S, B * D)
    grid = (B,)
    return pl.pallas_call(
        _mea_kernel,
        grid=grid,
        in_specs=[
            pl.BlockSpec((1, E, 2), lambda b: (b, 0, 0)),
            pl.BlockSpec((S, D), lambda b: (0, b)),
            pl.BlockSpec((L, D), lambda b: (0, 0)),
        ],
        out_specs=pl.BlockSpec((1, L, S), lambda b: (b, 0, 0)),
        out_shape=jax.ShapeDtypeStruct((B, L, S), jnp.float32),
    )(e, M2, W)

# --- scband reference (transcript-rebuilt; emitter-appended) ---
"""Pipeline reference for scband-masked-edge-attention-25091198943370 (READ-ONLY COPY).

The authoritative reference and input builder live on the scoring server;
editing this copy changes nothing except your own understanding.
"""

import jax, jax.numpy as jnp
import numpy as np

S, B, D = 512, 32, 1024
L = 512  # max_seq_len

def setup_inputs(seed: int = 0) -> dict:
    key = jax.random.key(seed)
    k1, k2, k3, k4 = jax.random.split(key, 4)
    M = jax.random.normal(k1, (S, B, D), dtype=jnp.float32)
    lengths = jax.random.randint(k2, (B,), 0, S, dtype=jnp.int64)
    edge_ind = jax.random.randint(k3, (B, 512, 2), 0, S, dtype=jnp.int64)
    # Linear(input_dim, max_seq_len, bias=False) weight: [L, D]
    W = jax.random.normal(k4, (L, D), dtype=jnp.float32) * (1.0 / np.sqrt(D))
    return {"M": M, "lengths": lengths, "edge_ind": edge_ind, "W": W}

def reference(M, lengths, edge_ind, W):
    # scale = self.scalar(M): [S, B, L]
    scale = jnp.einsum('sbd,ld->sbl', M, W)
    # softmax over dim=0 (sequence dim), then permute(1,2,0) -> [B, L, S]
    alpha = jax.nn.softmax(scale, axis=0).transpose(1, 2, 0)
    mask = jnp.ones_like(alpha) * 1e-10
    mask_copy = jnp.zeros_like(alpha)
    Bn, En = edge_ind.shape[0], edge_ind.shape[1]
    b_idx = jnp.repeat(jnp.arange(Bn), En)
    e0 = edge_ind[:, :, 0].reshape(-1)
    e1 = edge_ind[:, :, 1].reshape(-1)
    # clip indices >= alpha.shape[-1] to alpha.shape[-1]-1 (as in torch code)
    last = alpha.shape[-1]
    e0 = jnp.where(e0 >= last, last - 1, e0)
    e1 = jnp.where(e1 >= last, last - 1, e1)
    mask = mask.at[b_idx, e0, e1].set(1.0)
    mask_copy = mask_copy.at[b_idx, e0, e1].set(1.0)
    masked_alpha = alpha * mask
    _sums = masked_alpha.sum(-1, keepdims=True)
    scores = masked_alpha / (_sums + 1e-10) * mask_copy
    return scores

if __name__ == "__main__":
    import jax
    _d = setup_inputs()
    print(jax.jit(kernel)(*tuple(_d.values())))

</pallas_src>

<mosaic_0001>
module attributes {stable_mosaic.version = 14 : i64} {
  func.func @_mea_kernel(%arg0: i32, %arg1: memref<1x512x2xi32, #tpu.memory_space<vmem>>, %arg2: memref<512x1024xf32, #tpu.memory_space<vmem>>, %arg3: memref<512x1024xf32, #tpu.memory_space<vmem>>, %arg4: memref<1x512x512xf32, #tpu.memory_space<vmem>>) attributes {dimension_semantics = [#tpu.dimension_semantics<arbitrary>], iteration_bounds = array<i64: 32>, scalar_prefetch = 0 : i64, scratch_operands = 0 : i64, tpu.core_type = #tpu.core_type<tc>, window_params = [{transform_indices = @transform_0, window_bounds = array<i64: 1, 512, 2>}, {transform_indices = @transform_1, window_bounds = array<i64: 512, 1024>}, {pipeline_mode = #tpu.pipeline_mode<synchronous>, transform_indices = @transform_2, window_bounds = array<i64: 512, 1024>}, {transform_indices = @transform_3, window_bounds = array<i64: 1, 512, 512>}]} {
    %get3A = arith.constant 0 : index
    %get3A_0 = arith.constant 0 : index
    %get3A_1 = vector.load %arg2[%get3A, %get3A_0] : memref<512x1024xf32, #tpu.memory_space<vmem>>, vector<512x1024xf32>
    %get3A_2 = arith.constant 0 : index
    %get3A_3 = arith.constant 0 : index
    %get3A_4 = vector.load %arg3[%get3A_2, %get3A_3] : memref<512x1024xf32, #tpu.memory_space<vmem>>, vector<512x1024xf32>
    %dot_general3A = arith.constant dense<0.000000e+00> : vector<512x512xf32>
    %dot_general3A_5 = tpu.matmul %get3A_4, %get3A_1, %dot_general3A {dimension_numbers = #tpu.dot_dimension_numbers<[1], [1], [0], [0], [0, 0, 1, 0], [], []>, transpose_lhs_hint = false} : vector<512x1024xf32>, vector<512x1024xf32>, vector<512x512xf32> -> vector<512x512xf32>
    %reduce_max3A = arith.constant dense<0xFF800000> : vector<512xf32>
    %reduce_max3A_6 = vector.multi_reduction <maximumf>, %dot_general3A_5, %reduce_max3A [1] : vector<512x512xf32> to vector<512xf32>
    %broadcast_in_dim3A = vector.shape_cast %reduce_max3A_6 : vector<512xf32> to vector<512x1xf32>
    %sub3A = vector.broadcast %broadcast_in_dim3A : vector<512x1xf32> to vector<512x512xf32>
    %sub3A_7 = arith.subf %dot_general3A_5, %sub3A : vector<512x512xf32>
    %exp3A = math.exp %sub3A_7 : vector<512x512xf32>
    %reduce_sum3A = arith.constant dense<0.000000e+00> : vector<512xf32>
    %reduce_sum3A_8 = vector.multi_reduction <add>, %exp3A, %reduce_sum3A [1] : vector<512x512xf32> to vector<512xf32>
    %broadcast_in_dim3A_9 = vector.shape_cast %reduce_sum3A_8 : vector<512xf32> to vector<512x1xf32>
    %div3A = vector.broadcast %broadcast_in_dim3A_9 : vector<512x1xf32> to vector<512x512xf32>
    %div3A_10 = arith.divf %exp3A, %div3A : vector<512x512xf32>
    %get3A_11 = arith.constant 0 : index
    %get3A_12 = arith.constant 0 : index
    %get3A_13 = arith.constant 0 : index
    %get3A_14 = vector.load %arg1[%get3A_11, %get3A_12, %get3A_13] : memref<1x512x2xi32, #tpu.memory_space<vmem>>, vector<1x512x2xi32>
    %get3A_15 = vector.shape_cast %get3A_14 : vector<1x512x2xi32> to vector<512x2xi32>
    %slice3A = vector.extract_strided_slice %get3A_15 {offsets = [0, 0], sizes = [512, 1], strides = [1, 1]} : vector<512x2xi32> to vector<512x1xi32>
    %min3A = arith.constant 511 : i32
    %min3A_16 = vector.broadcast %min3A : i32 to vector<512x1xi32>
    %min3A_17 = arith.minsi %slice3A, %min3A_16 : vector<512x1xi32>
    %slice3A_18 = vector.extract_strided_slice %get3A_15 {offsets = [0, 1], sizes = [512, 1], strides = [1, 1]} : vector<512x2xi32> to vector<512x1xi32>
    %min3A_19 = arith.constant 511 : i32
    %min3A_20 = vector.broadcast %min3A_19 : i32 to vector<512x1xi32>
    %min3A_21 = arith.minsi %slice3A_18, %min3A_20 : vector<512x1xi32>
    %iota3A = tpu.iota {dimensions = array<i32: 1>} : vector<512x512xi32>
    %iota3A_22 = tpu.iota {dimensions = array<i32: 1>} : vector<512x512xi32>
    %eq3A = vector.broadcast %min3A_17 : vector<512x1xi32> to vector<512x512xi32>
    %eq3A_23 = arith.cmpi eq, %iota3A, %eq3A : vector<512x512xi32>
    %convert_element_type3A = arith.extui %eq3A_23 : vector<512x512xi1> to vector<512x512xi32>
    %convert_element_type3A_24 = arith.sitofp %convert_element_type3A : vector<512x512xi32> to vector<512x512xf32>
    %convert_element_type3A_25 = arith.truncf %convert_element_type3A_24 : vector<512x512xf32> to vector<512x512xbf16>
    %eq3A_26 = vector.broadcast %min3A_21 : vector<512x1xi32> to vector<512x512xi32>
    %eq3A_27 = arith.cmpi eq, %iota3A_22, %eq3A_26 : vector<512x512xi32>
    %convert_element_type3A_28 = arith.extui %eq3A_27 : vector<512x512xi1> to vector<512x512xi32>
    %convert_element_type3A_29 = arith.sitofp %convert_element_type3A_28 : vector<512x512xi32> to vector<512x512xf32>
    %convert_element_type3A_30 = arith.truncf %convert_element_type3A_29 : vector<512x512xf32> to vector<512x512xbf16>
    %dot_general3A_31 = arith.constant dense<0.000000e+00> : vector<512x512xf32>
    %dot_general3A_32 = tpu.matmul %convert_element_type3A_25, %convert_element_type3A_30, %dot_general3A_31 {dimension_numbers = #tpu.dot_dimension_numbers<[0], [0], [1], [1], [0, 1, 1, 1], [], []>, transpose_lhs_hint = false} : vector<512x512xbf16>, vector<512x512xbf16>, vector<512x512xf32> -> vector<512x512xf32>
    %gt3A = arith.constant 0.000000e+00 : f32
    %gt3A_33 = vector.broadcast %gt3A : f32 to vector<512x512xf32>
    %gt3A_34 = arith.cmpf ogt, %dot_general3A_32, %gt3A_33 : vector<512x512xf32>
    %jit3A = arith.constant 0.000000e+00 : f32
    %broadcast_in_dim3A_35 = vector.broadcast %jit3A : f32 to vector<512x512xf32>
    %select_n3A = arith.select %gt3A_34, %div3A_10, %broadcast_in_dim3A_35 : vector<512x512xi1>, vector<512x512xf32>
    %reduce_sum3A_36 = arith.constant dense<0.000000e+00> : vector<512xf32>
    %reduce_sum3A_37 = vector.multi_reduction <add>, %select_n3A, %reduce_sum3A_36 [1] : vector<512x512xf32> to vector<512xf32>
    %broadcast_in_dim3A_38 = vector.shape_cast %reduce_sum3A_37 : vector<512xf32> to vector<512x1xf32>
    %reduce_sum3A_39 = arith.constant dense<0.000000e+00> : vector<512xf32>
    %reduce_sum3A_40 = vector.multi_reduction <add>, %div3A_10, %reduce_sum3A_39 [1] : vector<512x512xf32> to vector<512xf32>
    %broadcast_in_dim3A_41 = vector.shape_cast %reduce_sum3A_40 : vector<512xf32> to vector<512x1xf32>
    %sub3A_42 = arith.subf %broadcast_in_dim3A_41, %broadcast_in_dim3A_38 : vector<512x1xf32>
    %mul3A = arith.constant 1.000000e-10 : f32
    %mul3A_43 = vector.broadcast %mul3A : f32 to vector<512x1xf32>
    %mul3A_44 = arith.mulf %mul3A_43, %sub3A_42 : vector<512x1xf32>
    %add3A = arith.addf %broadcast_in_dim3A_38, %mul3A_44 : vector<512x1xf32>
    %add3A_45 = arith.constant 1.000000e-10 : f32
    %add3A_46 = vector.broadcast %add3A_45 : f32 to vector<512x1xf32>
    %add3A_47 = arith.addf %add3A, %add3A_46 : vector<512x1xf32>
    %div3A_48 = vector.broadcast %add3A_47 : vector<512x1xf32> to vector<512x512xf32>
    %div3A_49 = arith.divf %div3A_10, %div3A_48 : vector<512x512xf32>
    %jit3A_50 = arith.constant 0.000000e+00 : f32
    %broadcast_in_dim3A_51 = vector.broadcast %jit3A_50 : f32 to vector<512x512xf32>
    %select_n3A_52 = arith.select %gt3A_34, %div3A_49, %broadcast_in_dim3A_51 : vector<512x512xi1>, vector<512x512xf32>
    %swap3A = arith.constant 0 : index
    %swap3A_53 = arith.constant 0 : index
    %swap3A_54 = arith.constant 0 : index
    %swap3A_55 = vector.load %arg4[%swap3A, %swap3A_53, %swap3A_54] : memref<1x512x512xf32, #tpu.memory_space<vmem>>, vector<1x512x512xf32>
    %swap3A_56 = vector.shape_cast %swap3A_55 : vector<1x512x512xf32> to vector<512x512xf32>
    %swap3A_57 = vector.shape_cast %select_n3A_52 : vector<512x512xf32> to vector<1x512x512xf32>
    tpu.vector_store %arg4[%swap3A, %swap3A_53, %swap3A_54], %swap3A_57 {strides = array<i32>} : memref<1x512x512xf32, #tpu.memory_space<vmem>>, vector<1x512x512xf32>,
    return
  }
  func.func @transform_0(%arg0: i32) -> (i32, i32, i32) {
    %c0_i32 = arith.constant 0 : i32
    %c0_i32_0 = arith.constant 0 : i32
    %c0_i32_1 = arith.constant 0 : i32
    return %arg0, %c0_i32, %c0_i32_0 : i32, i32, i32
  }
  func.func @transform_1(%arg0: i32) -> (i32, i32) {
    %c0_i32 = arith.constant 0 : i32
    %c0_i32_0 = arith.constant 0 : i32
    return %c0_i32, %arg0 : i32, i32
  }
  func.func @transform_2(%arg0: i32) -> (i32, i32) {
    %c0_i32 = arith.constant 0 : i32
    %c0_i32_0 = arith.constant 0 : i32
    %c0_i32_1 = arith.constant 0 : i32
    return %c0_i32, %c0_i32_0 : i32, i32
  }
  func.func @transform_3(%arg0: i32) -> (i32, i32, i32) {
    %c0_i32 = arith.constant 0 : i32
    %c0_i32_0 = arith.constant 0 : i32
    %c0_i32_1 = arith.constant 0 : i32
    return %arg0, %c0_i32, %c0_i32_0 : i32, i32, i32
  }
}

</mosaic_0001>

<sc_bundles>
// kernel: sparse-core-data-format-call.cloned.1.call-start
scs
called_computation_lowered:
.L_overlay_start_0:
0x0: {  	s2 =	sld [smem:$0x3FD9]  }
0x1: {  	s3 =	sld [smem:$0x3FFE];
	_ =	sdelay $0x1  }
0x2: {  	s1 =	srdreg.scid  }
0x3: {  	s0 =	sand.u32 $0x1, s1  }
0x4: {  	s18 =	sshll.u32 s0, $0xA;
	s2 =	sadd.s32 s3, s2  }
0x5: {  	s2 =	sadd.s32 s2, s18  }
0x6: {  	[smem:$0x3FC5] =	sst s2  }
0x7: {  	_ = 	snop  }
0x8: {  	s2 =	sld [smem:$0x3FC9];
	(tm) =	ssettm $0x1  }
0x9: {  	s19 =	sld [smem:$0x3FFB];
	_ =	sdelay $0x3  }
0xa: {  	_ =	strace s19  }
0xb: {  	s3 =	sld [smem:$0x3FFC];
	_ =	sdelay $0x3  }
0xc: {  	_ =	strace s3  }
0xd: {  	s3 =	sld [smem:$0x3FFD];
	_ =	sdelay $0x3  }
0xe: {  	_ =	strace s3  }
0xf: {  	_ =	strace $0x8FFFFFFF  }
0x10: {  	s20 =	sld [smem:$0x3FDB];
	_ =	sdelay $0x1  }
0x11: {  	s4 =	simm.s32 $_scs_section_size  }
0x12: {  	s5 =	simm.s32 $_size__tile_overlayer_lowered;
	s6 =	simm.s32 $_tile_overlayer_lowered  }
0x13: {  	s23 =	simm.s32 $0x1BFF;
	s22 =	sshll.u32 s6, $0x1;
	s3 =	sadd.s32 s4, s20  }
0x14: {  	s7 =	simm.s32 $0x0;
	s21 =	sshll.u32 s5, $0x1;
	s5 =	sadd.s32 s22, s3  }
0x15: {  	[timem:s7], [sflag:s23] =	dma.local [hbm:s5], s21  }
0x16: {  	_ =	swait.ge [sflag:s23], s21  }
0x17: {  	s4 =	ssub.s32 $0x0, s21;
	[sflag:s23] =	ssyncset.done $0x0  }
0x18: {  	[sflag:s23] =	ssyncadd.s32 s4;
	_ =	sdelay $0x1  }
0x19: {  	s24 =	simm.s32 $0x1B8B  }
0x1a: {  	_ =	swait.ge [sflag:s24], $0x1  }
0x1b: {  	[sflag:s24] =	ssyncset.done $0x0  }
0x1c: {  	s26 =	simm.s32 $0x1B8E;
	s25 =	sld [smem:$0x3FFE];
	[sflag:s24] =	ssyncadd.s32 $0xFFFFFFFF  }
0x1d: {  	s27 =	simm.s32 $execute0_lowered;
	[smem:$0x3FD2] =	sst s26  }
0x1e: {  	s5 =	sshll.u32 s27, $0x1;
	_ =	strace $0x80000046;
	[dreg:$0x1] =	wrdreg $0xFFFFFFFF  }
0x1f: {  	s28 =	simm.s32 $_size_execute0_lowered;
	s3 =	sadd.s32 s3, s5;
	[dreg:$0x0] =	wrdreg $0x0  }
0x20: {  	s5 =	sshll.u32 s28, $0x1;
	[dreg:$0x2] =	wrdreg s3  }
0x21: {  	[dreg:$0x3] =	wrdreg s5  }
0x22: {  	[dreg:$0x4] =	wrdreg $0xC0  }
0x23: {  	_ =	task [dreg:s7], $0x5FFFF  }
0x24: {  	[dreg:$0x1] =	wrdreg $0xFFFFFFFF  }
0x25: {  	[dreg:$0x0] =	wrdreg $0x60  }
0x26: {  	[dreg:$0x2] =	wrdreg s2  }
0x27: {  	[dreg:$0x3] =	wrdreg s25  }
0x28: {  	[dreg:$0x4] =	wrdreg $0x9  }
0x29: {  	_ =	task.clear_ibuf [dreg:s7], $0x5FFFF;
	_ =	strace $0x90000046  }
0x2a: {  	s29 =	simm.s32 $0x9;
	_ =	strace $0x80000048  }
0x2b: {  	_ =	swait.ge [sflag:s29], $0x1  }
0x2c: {  	[sflag:s29] =	ssyncadd.s32 $0xFFFFFFFF  }
0x2d: {  	_ =	strace $0x90000048  }
0x2e: {  	_ =	sfence  }
0x2f: {  	s30 =	sld [smem:$0x0];
	_ =	sdelay $0x2  }
0x30: {  	s31 =	sshll.u32 s1, $0xD;
	s1 =	sshrl.u32 s1, $0x2  }
0x31: {  	s3 =	sand.u32 $0x4000, s31;
	s1 =	sadd.s32 s1, s30  }
0x32: {  	s0 =	sor.u32 s3, s0;
	s1 =	sshll.u32 s1, $0x11  }
0x33: {  	s0 =	sor.u32 s1, s0  }
0x34: {  	s0 =	sadd.s32 $0x8F2B, s0  }
0x35: {  	[sflag:s0] =	ssyncadd.remote.s32 $0x1  }
0x36: {  	_ =	sfence.sel $0xFFFF  }
0x37: {  	[dreg:$0x0] =	wrdreg $0xFFFFFFFF;
	(pc) =	sbr.abs _section_cstart, $3  }
0x38: {  	[dreg:$0x1] =	wrdreg $0xFFFFFFFF  }
0x39: {  	_ =	task.clear_ibuf [dreg:s7], $0x2FFFF;
	_ =	strace $0x9FFFFFFF  }
0x3a: {  	(tm) =	ssettm $0x7FFFFFFF  }
0x3b: {  	_ =	shalt  }
tec
execute0_lowered:
.L_overlay_start_1:
0x0: {  	(tag) =	ssettag $0x1  }
0x1: {  	s2 =	rddreg [dreg:$0x0]  }
0x2: {  	s1 =	rddreg [dreg:$0x1]  }
0x3: {  	s0 =	rddreg [dreg:$0x2];
	_ =	strace $0x80000047;
	s4 =	srdreg.scid  }
0x4: {  	s6 =	simm.s32 $0x2;
	s12 =	simm.s32 $0x0;
	p0 =	por $0x0, $0x0  }
0x5: {  	s13 =	simm.s32 $0x0;
	s15 =	simm.s32 $0x0;
	s14 =	simm.s32 $0x0  }
.Ltmp0:
0x6: {  	s8 =	simm.s32 $0x0;
	s9 =	simm.s32 $0x0;
	(pc) =	sbr.rel .LBB1_1-.Ltmp0, $4  }
0x7: {  	s10 =	simm.s32 $0x0;
	s3 =	sadd.s32 $0x800, s1;
	s5 =	sshll.u32 s4, $0x4  }
0x8: {  	s1 =	stileid.u32;
	s4 =	simm.s32 $0x1;
	s5 =	sand.u32 $0x10, s5  }
0x9: {  	s7 =	simm.s32 $0x0;
	[sflag:s4] =	ssyncpa.u1 $0x0;
	s5 =	sor.u32 s1, s5  }
0xa: {  	[sflag:s6] =	ssyncpa.u1 $0x0;
	s6 =	simm.s32 $0x2000;
	s11 =	smov.u32 s5  }
.LBB1_7:
0xb: {  	s16 =	sadd.s32 $0x80, s8  }
0xc: {  	s12 =	sadd.s32 $0x20, s9;
	s17 =	smov.u32 s9;
	p2 =	sgt.s32 s16, $0x3FF  }
0xd: {  	s17 =	smov.u32 @p2 s12  }
0xe: {  	s18 =	smov.u32 s10;
	s12 =	sadd.s32 $0x4, s10;
	p3 =	sgt.s32 s17, $0x1F  }
0xf: {  	s18 =	smov.u32 @p3 s12  }
0x10: {  	s19 =	smov.u32 s11;
	s12 =	sadd.s32 $0x20, s11;
	p4 =	sgt.s32 s18, $0x7  }
0x11: {  	p1 =	slt.u32 s7, $0x2;
	s19 =	smov.u32 @p4 s12  }
0x12: {  	s7 =	sadd.s32 $0x1, s7;
	s16 =	simm.s32 @p2 $0x0;
	p2 =	sgt.s32 s19, $0x3F  }
0x13: {  	s20 =	simm.s32 @!p1 $0x2;
	s19 =	smov.u32 @p2 s5;
	p2 =	sne.s32 s7, $0x22  }
.Ltmp1:
0x14: {  	s13 =	smov.u32 s9;
	_ =	swait.ge @!p1 [sflag:s20], $0x4000;
	(pc) =	sbr.rel @!p2 .LBB1_8-.Ltmp1, $4  }
0x15: {  	s15 =	smov.u32 s10;
	s14 =	smov.u32 s11;
	[sflag:s20] =	ssyncset.done @!p1 $0x0  }
0x16: {  	p0 =	por !p0, !p0;
	s17 =	simm.s32 @p3 $0x0;
	[sflag:s20] =	ssyncadd.s32 @!p1 $0xFFFFC000  }
0x17: {  	s9 =	smov.u32 s17;
	s18 =	simm.s32 @p4 $0x0;
	s12 =	smov.u32 s8  }
0x18: {  	s8 =	smov.u32 s16;
	s10 =	smov.u32 s18;
	s11 =	smov.u32 s19  }
.LBB1_1:
0x19: {  	p1 =	sgt.u32 s7, $0x1F  }
0x1a: {  	s16 =	sxor.u32 @!p1 $0xFFFFFFFF, s7;
	s17 =	sshll.u32 @!p1 s9, $0x7;
	s18 =	sand.u32 @!p1 $0x78, s8  }
0x1b: {  	s20 =	sshll.u32 @!p1 s10, $0xC;
	s16 =	sshll.u32 @!p1 s16, $0xE;
	s19 =	sand.u32 @!p1 $0x380, s17  }
0x1c: {  	s17 =	sand.u32 @!p1 $0xC00, s17;
	s18 =	sor.u32 @!p1 s18, s19;
	s19 =	sshll.u32 @!p1 s11, $0xF  }
0x1d: {  	s16 =	sand.u32 @!p1 $0x4000, s16;
	s17 =	sadd.s32 @!p1 s8, s17;
	s19 =	sadd.s32 @!p1 s2, s19  }
0x1e: {  	s18 =	sshrl.u32 @!p1 s18, $0x3;
	s19 =	sadd.s32 @!p1 s20, s19;
	s20 =	sand.u32 @!p1 $0x7, s8  }
0x1f: {  	s17 =	sand.u32 @!p1 $0xF80, s17;
	s18 =	sadd.s32 @!p1 s18, s19;
	s19 =	sshll.u32 @!p1 s20, $0x12  }
0x20: {  	s17 =	sadd.s32 @!p1 s17, s18;
	s18 =	sor.u32 @!p1 $0x400, s19;
	s19 =	simm.s32 @!p1 $0x2000  }
0x21: {  	[tilespmem:s16], [sflag:$0x1] =	stream.strided.gather @!p1 [hbm4b:s17+s18], $0x4000, s19, s18, $0x38;
	[tilespmem:$0x10000] =	vst v63  }
0x22: {  	p1 =	seq.s32 s7, $0x0  }
0x23: {  	p2 =	seq.s32 @!p1 s7, $0x21  }
0x24: {  	p1 =	por p1, p2  }
.Ltmp2:
0x25: {  	_ = 	snop;
	(pc) =	sbr.rel @p1 .LBB1_7-.Ltmp2, $1  }
0x26: {  	_ =	sdelay $0x3  }
0x27: {  	s16 =	simm.s32 $0x1;
	_ =	swait.ge [sflag:s4], $0x4000;
	s19 =	sshll.u32 s7, $0xE  }
0x28: {  	s16 =	simm.s32 @!p0 $0x0;
	[sflag:s4] =	ssyncset.done $0x0;
	s31 =	sand.u32 $0x4000, s19  }
0x29: {  	s19 =	simm.s32 $0x0;
	s16 =	sshll.u32 s16, $0xE;
	[sflag:s4] =	ssyncadd.s32 $0xFFFFC000  }
0x2a: {  	s17 =	sor.u32 $0x8040, s16;
	s18 =	sor.u32 $0x40, s16;
	s16 =	sor.u32 $0x8000, s31  }
.LBB1_3:
0x2b: {  	v0 =	vmov s18;
	_ =	sdelay $0x3  }
0x2c: {  	s21 =	simm.s32 $0x0  }
0x2d: {  	v6 =	vld.idx.msk [tilespmem:v0+s21+$0x30 ss:$0x1], $0xffff  }
0x2e: {  	v7 =	vld.idx.msk [tilespmem:v0+s21+$0xFFFFFFC0 ss:$0x1], $0xffff  }
0x2f: {  	v5 =	vld.idx.msk [tilespmem:v0+s21+$0xFFFFFFD0 ss:$0x1], $0xffff  }
0x30: {  	v4 =	vld.idx.msk [tilespmem:v0+s21+$0xFFFFFFE0 ss:$0x1], $0xffff  }
0x31: {  	v3 =	vld.idx.msk [tilespmem:v0+s21+$0xFFFFFFF0 ss:$0x1], $0xffff  }
0x32: {  	v1 =	vld.idx.msk [tilespmem:v0+s21+$0x0 ss:$0x1], $0xffff  }
0x33: {  	v2 =	vld.idx.msk [tilespmem:v0+s21+$0x10 ss:$0x1], $0xffff;
	[tilespmem:s17+$0x30] =	vst v6  }
0x34: {  	s20 =	simm.s32 $0x80;
	s22 =	simm.s32 $0x400;
	[tilespmem:s17+$0xFFFFFFC0] =	vst v7;
	v6 =	vld.idx.msk [tilespmem:v0+s21+$0x20 ss:$0x1], $0xffff;
	s21 =	smov.u32 s17  }
.LBB1_4:
0x35: {  	p1 =	sne.s32 s22, $0x3E00;
	v7 =	vld.idx.msk [tilespmem:v0+s20+$0x30 ss:$0x1], $0xffff;
	[tilespmem:s21+$0xFFFFFFD0] =	vst v5  }
0x36: {  	v8 =	vld.idx.msk [tilespmem:v0+s20+$0xFFFFFFC0 ss:$0x1], $0xffff;
	[tilespmem:s21+$0xFFFFFFE0] =	vst v4  }
0x37: {  	v5 =	vld.idx.msk [tilespmem:v0+s20+$0xFFFFFFD0 ss:$0x1], $0xffff;
	[tilespmem:s21+$0xFFFFFFF0] =	vst v3  }
.Ltmp3:
0x38: {  	v4 =	vld.idx.msk [tilespmem:v0+s20+$0xFFFFFFE0 ss:$0x1], $0xffff;
	[tilespmem:s21+$0x0] =	vst v1;
	(pc) =	sbr.rel @p1 .LBB1_4-.Ltmp3, $4  }
0x39: {  	v3 =	vld.idx.msk [tilespmem:v0+s20+$0xFFFFFFF0 ss:$0x1], $0xffff;
	[tilespmem:s21+$0x10] =	vst v2  }
0x3a: {  	v1 =	vld.idx.msk [tilespmem:v0+s20+$0x0 ss:$0x1], $0xffff;
	[tilespmem:s21+$0x20] =	vst v6;
	s21 =	sadd.s32 $0x200, s21  }
0x3b: {  	v2 =	vld.idx.msk [tilespmem:v0+s20+$0x10 ss:$0x1], $0xffff;
	[tilespmem:s21+$0x30] =	vst v7  }
0x3c: {  	[tilespmem:s21+$0xFFFFFFC0] =	vst v8;
	v6 =	vld.idx.msk [tilespmem:v0+s20+$0x20 ss:$0x1], $0xffff;
	s20 =	sshra.s32 s22, $0x2;
	s22 =	sadd.s32 $0x200, s22  }
0x3d: {  	_ =	sdelay $0x2  }
0x3e: {  	[tilespmem:s21+$0xFFFFFFD0] =	vst v5  }
0x3f: {  	v56 =	vld.idx.msk [tilespmem:v0+s20+$0x30 ss:$0x1], $0xffff;
	[tilespmem:s21+$0xFFFFFFE0] =	vst v4  }
0x40: {  	v57 =	vld.idx.msk [tilespmem:v0+s20+$0xFFFFFFC0 ss:$0x1], $0xffff;
	[tilespmem:s21+$0xFFFFFFF0] =	vst v3  }
0x41: {  	v58 =	vld.idx.msk [tilespmem:v0+s20+$0xFFFFFFD0 ss:$0x1], $0xffff;
	[tilespmem:s21+$0x0] =	vst v1  }
0x42: {  	v59 =	vld.idx.msk [tilespmem:v0+s20+$0xFFFFFFE0 ss:$0x1], $0xffff;
	[tilespmem:s21+$0x10] =	vst v2  }
0x43: {  	v60 =	vld.idx.msk [tilespmem:v0+s20+$0xFFFFFFF0 ss:$0x1], $0xffff;
	s31 =	sadd.s32 $0x200, s21;
	[tilespmem:s21+$0x20] =	vst v6  }
0x44: {  	v61 =	vld.idx.msk [tilespmem:v0+s20+$0x0 ss:$0x1], $0xffff;
	[tilespmem:s31+$0x30] =	vst v56  }
0x45: {  	v62 =	vld.idx.msk [tilespmem:v0+s20+$0x10 ss:$0x1], $0xffff;
	s19 =	sadd.s32 $0x1, s19;
	[tilespmem:s31+$0xFFFFFFC0] =	vst v57  }
0x46: {  	v63 =	vld.idx.msk [tilespmem:v0+s20+$0x20 ss:$0x1], $0xffff;
	p1 =	sne.s32 s19, $0x4;
	[tilespmem:s31+$0xFFFFFFD0] =	vst v58  }
.Ltmp4:
0x47: {  	[tilespmem:s31+$0xFFFFFFE0] =	vst v59;
	(pc) =	sbr.rel @p1 .LBB1_3-.Ltmp4, $4  }
0x48: {  	[tilespmem:s31+$0xFFFFFFF0] =	vst v60  }
0x49: {  	[tilespmem:s31+$0x0] =	vst v61  }
0x4a: {  	[tilespmem:s31+$0x10] =	vst v62  }
0x4b: {  	s17 =	sadd.s32 $0x80, s17;
	s18 =	sadd.s32 $0x1000, s18;
	[tilespmem:s31+$0x20] =	vst v63  }
0x4c: {  	s15 =	sshll.u32 s15, $0x7;
	s17 =	sand.u32 $0x78, s12  }
0x4d: {  	s14 =	sshll.u32 s14, $0xF;
	s13 =	sshll.u32 s13, $0xA;
	s29 =	sand.u32 $0x380, s12  }
.Ltmp5:
0x4e: {  	s15 =	sand.u32 $0x380, s15;
	s14 =	sadd.s32 s3, s14;
	(pc) =	sbr.rel .LBB1_7-.Ltmp5, $4  }
0x4f: {  	s30 =	sand.u32 $0x7, s12;
	s15 =	sor.u32 s15, s17;
	s13 =	sadd.s32 s13, s14  }
0x50: {  	s12 =	sshll.u32 s30, $0x12;
	s31 =	sshrl.u32 s15, $0x3;
	s13 =	sadd.s32 s29, s13  }
0x51: {  	s12 =	sor.u32 $0x200, s12;
	s13 =	sadd.s32 s31, s13  }
0x52: {  	[hbm4b:s13+s12] =	stream.strided.scatter [tilespmem:s16], [sflag:$0x2], $0x4000, s6, s12, $0x38;
	[tilespmem:$0x10000] =	vst v63  }
.LBB1_8:
0x53: {  	_ =	sfence.sel $0x180000  }
0x54: {  	s2 =	simm.s32 $0x1;
	[bflag:$0x0] =	sbarrier.arrive $0xFFFF  }
0x55: {  	s31 =	simm.s32 $0x2;
	[sflag:s2] =	ssyncpa.u1 $0x1  }
0x56: {  	[sflag:s31] =	ssyncpa.u1 $0x1  }
0x57: {  	p0 =	sne.s32 s1, $0x0;
	_ =	strace $0x90000047  }
0x58: {  	s0 =	sadd.s32 @!p0 $0x100000, s0;
	[bflag:$0x2] =	sbarrier.arrive $0xFFFF  }
0x59: {  	[sflag:s0] =	ssyncadd.tile.s32 @!p0 $0x1;
	_ =	shalt  }
.Lfunc_end1:
_tile_overlayer_lowered:
.L_overlay_start_2:
0x5a: {  	(tag) =	ssettag $0x2  }
0x5b: {  	s0 =	rddreg [dreg:$0x0];
	s2 =	stileid.u32  }
0x5c: {  	s1 =	rddreg [dreg:$0x1];
	p0 =	sne.s32 s2, $0x0  }
0x5d: {  	s3 =	rddreg [dreg:$0x2];
	[bflag:$0x3] =	sbarrier.arrive $0xFFFF;
	s2 =	simm.s32 @!p0 $0x1C01  }
0x5e: {  	[timem:s3], [sflag:s2] =	dma.local @!p0 [hbm:s0], s1  }
0x5f: {  	s0 =	simm.s32 @!p0 $0x1  }
0x60: {  	_ =	swait.ge @!p0 [sflag:s0], s1  }
0x61: {  	s1 =	ssub.s32 @!p0 $0x0, s1;
	[sflag:s0] =	ssyncset.done @!p0 $0x0  }
0x62: {  	[sflag:s0] =	ssyncadd.s32 @!p0 s1  }
0x63: {  	[bflag:$0x3] =	sbarrier.arrive $0xFFFF  }
0x64: {  	_ =	shalt  }

</sc_bundles>
